<compile_context>
chip_gen: v7x
topology: tpu7x:2x2x1
jax: 0.10.2.dev20260603
libtpu: 0.0.44.dev20260713+nightly
codegen_flags: <defaults>
</compile_context>

<pallas_src>
import functools
import jax
import jax.numpy as jnp
from jax import lax
from jax.experimental import pallas as pl
from jax.experimental.pallas import tpu as pltpu
from jax.experimental.pallas import tpu_sc as plsc

NC = 2
NS = 16
NW = NC * NS
CH = 128


@functools.partial(jax.jit, static_argnames=("nchunk",))
def _sc_aggregate(h, c2p, u2p, *, nchunk):
    N, D = h.shape
    acc_rows = ((N + NS * CH - 1) // (NS * CH)) * NS * CH
    zrows = acc_rows // NS

    mesh = plsc.VectorSubcoreMesh(core_axis_name="c", subcore_axis_name="s")

    @functools.partial(
        pl.kernel,
        out_type=jax.ShapeDtypeStruct((NC, acc_rows, D), jnp.float32),
        mesh=mesh,
        scratch_types=[
            pltpu.VMEM((nchunk, CH), jnp.int32),
            pltpu.VMEM((nchunk, CH), jnp.int32),
            pltpu.VMEM((CH, D), jnp.float32),
            pltpu.VMEM_SHARED((acc_rows, D), jnp.float32),
            pltpu.SemaphoreType.DMA,
        ],
    )
    def k(h_hbm, c2_hbm, u2_hbm, out_hbm, c2_v, u2_v, rows_v, acc_s, gsem0):
        cid = lax.axis_index("c")
        sid = lax.axis_index("s")
        wid = sid * NC + cid

        pltpu.sync_copy(c2_hbm.at[wid], c2_v)
        pltpu.sync_copy(u2_hbm.at[wid], u2_v)

        zeros16 = jnp.zeros((16,), jnp.float32)

        def zfill(i, carry):
            rows_v[i // (D // 16), pl.ds((i % (D // 16)) * 16, 16)] = zeros16
            return carry

        lax.fori_loop(0, CH * D // 16, zfill, 0)

        def zcopy(j, carry):
            pltpu.sync_copy(rows_v, acc_s.at[pl.ds(sid * zrows + j * CH, CH)])
            return carry

        lax.fori_loop(0, zrows // CH, zcopy, 0)
        plsc.subcore_barrier()

        def chunk(j, carry):
            pltpu.async_copy(h_hbm.at[c2_v.at[j]], rows_v, gsem0).wait()
            pltpu.sync_copy(rows_v, acc_s.at[u2_v.at[j]], add=True)
            return carry

        lax.fori_loop(0, nchunk, chunk, 0)
        plsc.subcore_barrier()

        pltpu.sync_copy(
            acc_s.at[pl.ds(sid * zrows, zrows)],
            out_hbm.at[cid, pl.ds(sid * zrows, zrows)],
        )

    return k(h, c2p, u2p)


def _encoder(x, We, be, bn):
    N, D = x.shape

    def body(x_ref, w_ref, b_ref, o_ref):
        o_ref[...] = (
            jnp.dot(x_ref[...], w_ref[...], preferred_element_type=jnp.float32)
            + b_ref[...]
        )

    return pl.pallas_call(
        body,
        grid=(N // bn,),
        in_specs=[
            pl.BlockSpec((bn, D), lambda i: (i, 0)),
            pl.BlockSpec((D, D), lambda i: (0, 0)),
            pl.BlockSpec((1, D), lambda i: (0, 0)),
        ],
        out_specs=pl.BlockSpec((bn, D), lambda i: (i, 0)),
        out_shape=jax.ShapeDtypeStruct((N, D), jnp.float32),
    )(x, We, be.reshape(1, D))


def _mlp_layer(parts, h, W1, b1, W2, b2, bn):
    N, D = h.shape

    def body(p_ref, h_ref, w1_ref, b1_ref, w2_ref, b2_ref, o_ref):
        z = p_ref[0] + p_ref[1] + h_ref[...]
        z1 = jnp.maximum(
            jnp.dot(z, w1_ref[...], preferred_element_type=jnp.float32)
            + b1_ref[...],
            0.0,
        )
        z2 = (
            jnp.dot(z1, w2_ref[...], preferred_element_type=jnp.float32)
            + b2_ref[...]
        )
        o_ref[...] = jnp.maximum(z2, 0.0)

    return pl.pallas_call(
        body,
        grid=(N // bn,),
        in_specs=[
            pl.BlockSpec((NC, bn, D), lambda i: (0, i, 0)),
            pl.BlockSpec((bn, D), lambda i: (i, 0)),
            pl.BlockSpec((D, D), lambda i: (0, 0)),
            pl.BlockSpec((1, D), lambda i: (0, 0)),
            pl.BlockSpec((D, D), lambda i: (0, 0)),
            pl.BlockSpec((1, D), lambda i: (0, 0)),
        ],
        out_specs=pl.BlockSpec((bn, D), lambda i: (i, 0)),
        out_shape=jax.ShapeDtypeStruct((N, D), jnp.float32),
    )(parts, h, W1, b1.reshape(1, D), W2, b2.reshape(1, D))


def _pool_readout(h, batch3, rW1, rb1, rW2, rb2, G, bn):
    N, D = h.shape
    C = rb2.shape[0]
    nb = N // bn

    def body(h_ref, b_ref, w1_ref, b1_ref, w2_ref, b2_ref, o_ref, acc):
        i = pl.program_id(0)

        @pl.when(i == 0)
        def _():
            acc[...] = jnp.zeros_like(acc)

        ids = b_ref[0, 0, :]
        gi = lax.broadcasted_iota(jnp.int32, (G, bn), 0)
        mask = (ids[None, :] == gi).astype(jnp.float32)
        acc[...] += jnp.dot(mask, h_ref[...], preferred_element_type=jnp.float32)

        @pl.when(i == nb - 1)
        def _():
            p1 = jnp.maximum(
                jnp.dot(acc[...], w1_ref[...], preferred_element_type=jnp.float32)
                + b1_ref[...],
                0.0,
            )
            o_ref[...] = (
                jnp.dot(p1, w2_ref[...], preferred_element_type=jnp.float32)
                + b2_ref[...]
            )

    return pl.pallas_call(
        body,
        grid=(nb,),
        in_specs=[
            pl.BlockSpec((bn, D), lambda i: (i, 0)),
            pl.BlockSpec((1, 1, bn), lambda i: (i, 0, 0)),
            pl.BlockSpec((D, D), lambda i: (0, 0)),
            pl.BlockSpec((1, D), lambda i: (0, 0)),
            pl.BlockSpec((D, C), lambda i: (0, 0)),
            pl.BlockSpec((1, C), lambda i: (0, 0)),
        ],
        out_specs=pl.BlockSpec((G, C), lambda i: (0, 0)),
        out_shape=jax.ShapeDtypeStruct((G, C), jnp.float32),
        scratch_shapes=[pltpu.VMEM((G, D), jnp.float32)],
    )(h, batch3, rW1, rb1.reshape(1, D), rW2, rb2.reshape(1, C))


def kernel(x, c_2, u_2, batch, We, be, cW1, cb1, cW2, cb2, rW1, rb1, rW2, rb2):
    N, D = x.shape
    E = c_2.shape[0]
    L = cW1.shape[0]
    G = 64
    bn = 1000

    c2 = c_2.astype(jnp.int32)
    u2 = u_2.astype(jnp.int32)
    nchunk = -(-E // (NW * CH))
    ep = NW * nchunk * CH
    pad = ep - E
    c2p = jnp.concatenate([c2, jnp.zeros((pad,), jnp.int32)]).reshape(NW, nchunk, CH)
    u2p = jnp.concatenate([u2, jnp.full((pad,), N, jnp.int32)]).reshape(NW, nchunk, CH)

    h = _encoder(x, We, be, bn)
    for i in range(L):
        parts = _sc_aggregate(h, c2p, u2p, nchunk=nchunk)
        h = _mlp_layer(parts, h, cW1[i], cb1[i], cW2[i], cb2[i], bn)

    batch3 = batch.astype(jnp.int32).reshape(N // bn, 1, bn)
    return _pool_readout(h, batch3, rW1, rb1, rW2, rb2, G, bn)

# --- scband reference (transcript-rebuilt; emitter-appended) ---
"""Pipeline reference for scband-ginbaseline-31739808318046 (READ-ONLY COPY).

The authoritative reference and input builder live on the scoring server;
editing this copy changes nothing except your own understanding.
"""

import jax, jax.numpy as jnp
import numpy as np

N = 10000
E = 320000
D = 128
G = 64
C = 10
L = 3


def setup_inputs(seed: int = 0) -> dict:
    key = jax.random.key(seed)
    ks = jax.random.split(key, 16)
    inp = {}
    inp['x'] = jax.random.normal(ks[0], (N, D), dtype=jnp.float32)
    inp['c_2'] = jax.random.randint(ks[1], (E,), 0, N, dtype=jnp.int64)
    inp['u_2'] = jax.random.randint(ks[2], (E,), 0, N, dtype=jnp.int64)
    inp['batch'] = jnp.sort(jax.random.randint(ks[3], (N,), 0, G, dtype=jnp.int64))
    s = 1.0 / np.sqrt(D)
    inp['We'] = jax.random.normal(ks[4], (D, D), dtype=jnp.float32) * s
    inp['be'] = jnp.zeros((D,), dtype=jnp.float32)
    inp['cW1'] = jax.random.normal(ks[5], (L, D, D), dtype=jnp.float32) * s
    inp['cb1'] = jnp.zeros((L, D), dtype=jnp.float32)
    inp['cW2'] = jax.random.normal(ks[6], (L, D, D), dtype=jnp.float32) * s
    inp['cb2'] = jnp.zeros((L, D), dtype=jnp.float32)
    inp['rW1'] = jax.random.normal(ks[7], (D, D), dtype=jnp.float32) * s
    inp['rb1'] = jnp.zeros((D,), dtype=jnp.float32)
    inp['rW2'] = jax.random.normal(ks[8], (D, C), dtype=jnp.float32) * s
    inp['rb2'] = jnp.zeros((C,), dtype=jnp.float32)
    return inp


def reference(x, c_2, u_2, batch, We, be, cW1, cb1, cW2, cb2, rW1, rb1, rW2, rb2):
    # encoder
    h = x @ We + be
    # GINConv layers: h_i' = MLP((1+eps)*h_i + sum_{j->i} h_j), eps=0 (PyG default)
    for i in range(L):
        msg = jnp.take(h, c_2, axis=0)                       # gather source features
        agg = jax.ops.segment_sum(msg, u_2, num_segments=N)  # scatter-add to dst
        z = agg + h
        z = jnp.maximum(z @ cW1[i] + cb1[i], 0.0) @ cW2[i] + cb2[i]
        h = jnp.maximum(z, 0.0)                              # torch.relu after conv
    # global_add_pool over graph ids
    pooled = jax.ops.segment_sum(h, batch, num_segments=G)
    out = jnp.maximum(pooled @ rW1 + rb1, 0.0) @ rW2 + rb2
    return out

if __name__ == "__main__":
    import jax
    _d = setup_inputs()
    print(jax.jit(kernel)(*tuple(_d.values())))

</pallas_src>

<mosaic_0001>
#map = affine_map<(d0, d1) -> (0, 0)>
#map1 = affine_map<(d0, d1) -> (0, 0, 0)>
module attributes {stable_mosaic.version = 14 : i64} {
  func.func @k(%arg0: i32, %arg1: i32, %arg2: memref<10000x128xf32, #tpu.memory_space<hbm>>, %arg3: memref<32x79x128xi32, #tpu.memory_space<hbm>>, %arg4: memref<32x79x128xi32, #tpu.memory_space<hbm>>, %arg5: memref<2x10240x128xf32, #tpu.memory_space<hbm>>, %arg6: memref<79x128xi32, #tpu.memory_space<vmem>>, %arg7: memref<79x128xi32, #tpu.memory_space<vmem>>, %arg8: memref<128x128xf32, #tpu.memory_space<vmem>>, %arg9: memref<10240x128xf32, #tpu.memory_space<vmem_shared>>, %arg10: memref<!tpu.dma_semaphore, #tpu.memory_space<semaphore_mem>>) attributes {dimension_semantics = [#tpu.dimension_semantics<core_parallel>, #tpu.dimension_semantics<subcore_parallel>], iteration_bounds = array<i64: 2, 16>, scalar_prefetch = 0 : i64, scratch_operands = 5 : i64, tpu.core_type = #tpu.core_type<sc_vector_subcore>, window_params = [{transform_indices = #map}, {transform_indices = #map1}, {transform_indices = #map1}, {transform_indices = #map1}]} {
    %mul3A = arith.constant 2 : i32
    %mul3A_0 = arith.muli %arg1, %mul3A : i32
    %add3A = arith.addi %mul3A_0, %arg0 : i32
    "tpu.region"() ({
      %run_scoped3A = tpu.sem_alloc : memref<!tpu.dma_semaphore, #tpu.memory_space<semaphore_mem>>
      %dma_start3A = arith.constant 0 : i32
      %dma_start3A_24 = arith.constant 0 : i32
      %dma_start3A_25 = tpu.memref_slice %arg3[%add3A, %dma_start3A, %dma_start3A_24] : memref<32x79x128xi32, #tpu.memory_space<hbm>> -> memref<1x79x128xi32, #tpu.memory_space<hbm>>
      %dma_start3A_26 = tpu.memref_squeeze %dma_start3A_25 : memref<1x79x128xi32, #tpu.memory_space<hbm>> -> memref<79x128xi32, #tpu.memory_space<hbm>>
      %dma_start3A_27 = arith.constant 0 : i32
      %dma_start3A_28 = arith.constant 0 : i32
      %dma_start3A_29 = tpu.memref_slice %arg3[%add3A, %dma_start3A_27, %dma_start3A_28] : memref<32x79x128xi32, #tpu.memory_space<hbm>> -> memref<1x79x128xi32, #tpu.memory_space<hbm>>
      %dma_start3A_30 = tpu.memref_squeeze %dma_start3A_29 : memref<1x79x128xi32, #tpu.memory_space<hbm>> -> memref<79x128xi32, #tpu.memory_space<hbm>>
      tpu.enqueue_dma source(%dma_start3A_30 : memref<79x128xi32, #tpu.memory_space<hbm>>) target(%arg6 : memref<79x128xi32, #tpu.memory_space<vmem>>) target_semaphore(%run_scoped3A : memref<!tpu.dma_semaphore, #tpu.memory_space<semaphore_mem>>)
      %dma_wait3A = arith.constant 0 : i32
      %dma_wait3A_31 = arith.constant 0 : i32
      %dma_wait3A_32 = tpu.memref_slice %arg3[%add3A, %dma_wait3A, %dma_wait3A_31] : memref<32x79x128xi32, #tpu.memory_space<hbm>> -> memref<1x79x128xi32, #tpu.memory_space<hbm>>
      %dma_wait3A_33 = tpu.memref_squeeze %dma_wait3A_32 : memref<1x79x128xi32, #tpu.memory_space<hbm>> -> memref<79x128xi32, #tpu.memory_space<hbm>>
      %dma_wait3A_34 = arith.constant 0 : i32
      %dma_wait3A_35 = arith.constant 0 : i32
      %dma_wait3A_36 = tpu.memref_slice %arg3[%add3A, %dma_wait3A_34, %dma_wait3A_35] : memref<32x79x128xi32, #tpu.memory_space<hbm>> -> memref<1x79x128xi32, #tpu.memory_space<hbm>>
      %dma_wait3A_37 = tpu.memref_squeeze %dma_wait3A_36 : memref<1x79x128xi32, #tpu.memory_space<hbm>> -> memref<79x128xi32, #tpu.memory_space<hbm>>
      tpu.wait_dma2 semaphore(%run_scoped3A : memref<!tpu.dma_semaphore, #tpu.memory_space<semaphore_mem>>) src(%dma_wait3A_37 : memref<79x128xi32, #tpu.memory_space<hbm>>) dst(%arg6 : memref<79x128xi32, #tpu.memory_space<vmem>>)
      tpu.yield
    }) : () -> ()
    "tpu.region"() ({
      %run_scoped3A = tpu.sem_alloc : memref<!tpu.dma_semaphore, #tpu.memory_space<semaphore_mem>>
      %dma_start3A = arith.constant 0 : i32
      %dma_start3A_24 = arith.constant 0 : i32
      %dma_start3A_25 = tpu.memref_slice %arg4[%add3A, %dma_start3A, %dma_start3A_24] : memref<32x79x128xi32, #tpu.memory_space<hbm>> -> memref<1x79x128xi32, #tpu.memory_space<hbm>>
      %dma_start3A_26 = tpu.memref_squeeze %dma_start3A_25 : memref<1x79x128xi32, #tpu.memory_space<hbm>> -> memref<79x128xi32, #tpu.memory_space<hbm>>
      %dma_start3A_27 = arith.constant 0 : i32
      %dma_start3A_28 = arith.constant 0 : i32
      %dma_start3A_29 = tpu.memref_slice %arg4[%add3A, %dma_start3A_27, %dma_start3A_28] : memref<32x79x128xi32, #tpu.memory_space<hbm>> -> memref<1x79x128xi32, #tpu.memory_space<hbm>>
      %dma_start3A_30 = tpu.memref_squeeze %dma_start3A_29 : memref<1x79x128xi32, #tpu.memory_space<hbm>> -> memref<79x128xi32, #tpu.memory_space<hbm>>
      tpu.enqueue_dma source(%dma_start3A_30 : memref<79x128xi32, #tpu.memory_space<hbm>>) target(%arg7 : memref<79x128xi32, #tpu.memory_space<vmem>>) target_semaphore(%run_scoped3A : memref<!tpu.dma_semaphore, #tpu.memory_space<semaphore_mem>>)
      %dma_wait3A = arith.constant 0 : i32
      %dma_wait3A_31 = arith.constant 0 : i32
      %dma_wait3A_32 = tpu.memref_slice %arg4[%add3A, %dma_wait3A, %dma_wait3A_31] : memref<32x79x128xi32, #tpu.memory_space<hbm>> -> memref<1x79x128xi32, #tpu.memory_space<hbm>>
      %dma_wait3A_33 = tpu.memref_squeeze %dma_wait3A_32 : memref<1x79x128xi32, #tpu.memory_space<hbm>> -> memref<79x128xi32, #tpu.memory_space<hbm>>
      %dma_wait3A_34 = arith.constant 0 : i32
      %dma_wait3A_35 = arith.constant 0 : i32
      %dma_wait3A_36 = tpu.memref_slice %arg4[%add3A, %dma_wait3A_34, %dma_wait3A_35] : memref<32x79x128xi32, #tpu.memory_space<hbm>> -> memref<1x79x128xi32, #tpu.memory_space<hbm>>
      %dma_wait3A_37 = tpu.memref_squeeze %dma_wait3A_36 : memref<1x79x128xi32, #tpu.memory_space<hbm>> -> memref<79x128xi32, #tpu.memory_space<hbm>>
      tpu.wait_dma2 semaphore(%run_scoped3A : memref<!tpu.dma_semaphore, #tpu.memory_space<semaphore_mem>>) src(%dma_wait3A_37 : memref<79x128xi32, #tpu.memory_space<hbm>>) dst(%arg7 : memref<79x128xi32, #tpu.memory_space<vmem>>)
      tpu.yield
    }) : () -> ()
    %broadcast_in_dim3A = arith.constant 0.000000e+00 : f32
    %broadcast_in_dim3A_1 = vector.broadcast %broadcast_in_dim3A : f32 to vector<16xf32>
    %scan3A = arith.constant 0 : i32
    %scan3A_2 = arith.constant 0 : i32
    %scan3A_3 = arith.constant 1024 : i32
    %scan3A_4 = arith.addi %scan3A_2, %scan3A_3 : i32
    %scan3A_5 = arith.constant 1 : i32
    scf.for %scan3A_24 = %scan3A_2 to %scan3A_4 step %scan3A_5  : i32 {
      %jit3A = arith.constant 8 : i32
      %div3A = arith.divsi %scan3A_24, %jit3A : i32
      %sign3A = arith.constant 0 : i32
      %sign3A_25 = arith.cmpi sgt, %scan3A_24, %sign3A : i32
      %sign3A_26 = arith.extui %sign3A_25 : i1 to i32
      %sign3A_27 = arith.constant 0 : i32
      %sign3A_28 = arith.cmpi slt, %scan3A_24, %sign3A_27 : i32
      %sign3A_29 = arith.extui %sign3A_28 : i1 to i32
      %sign3A_30 = arith.subi %sign3A_26, %sign3A_29 : i32
      %sign3A_31 = arith.constant 0 : i32
      %sign3A_32 = arith.cmpi sgt, %jit3A, %sign3A_31 : i32
      %sign3A_33 = arith.extui %sign3A_32 : i1 to i32
      %sign3A_34 = arith.constant 0 : i32
      %sign3A_35 = arith.cmpi slt, %jit3A, %sign3A_34 : i32
      %sign3A_36 = arith.extui %sign3A_35 : i1 to i32
      %sign3A_37 = arith.subi %sign3A_33, %sign3A_36 : i32
      %ne3A = arith.cmpi ne, %sign3A_30, %sign3A_37 : i32
      %rem3A = arith.remsi %scan3A_24, %jit3A : i32
      %ne3A_38 = arith.constant 0 : i32
      %ne3A_39 = arith.cmpi ne, %rem3A, %ne3A_38 : i32
      %and3A = arith.andi %ne3A, %ne3A_39 : i1
      %sub3A = arith.constant 1 : i32
      %sub3A_40 = arith.subi %div3A, %sub3A : i32
      %select_n3A = arith.select %and3A, %sub3A_40, %div3A : i32
      %jit3A_41 = arith.constant 8 : i32
      %eq3A = arith.constant 0 : i32
      %eq3A_42 = arith.cmpi eq, %jit3A_41, %eq3A : i32
      %jit3A_43 = arith.constant 1 : i32
      %select_n3A_44 = arith.select %eq3A_42, %jit3A_43, %jit3A_41 : i32
      %rem3A_45 = arith.remsi %scan3A_24, %select_n3A_44 : i32
      %ne3A_46 = arith.constant 0 : i32
      %ne3A_47 = arith.cmpi ne, %rem3A_45, %ne3A_46 : i32
      %lt3A = arith.constant 0 : i32
      %lt3A_48 = arith.cmpi slt, %rem3A_45, %lt3A : i32
      %lt3A_49 = arith.constant 0 : i32
      %lt3A_50 = arith.cmpi slt, %select_n3A_44, %lt3A_49 : i32
      %ne3A_51 = arith.xori %lt3A_48, %lt3A_50 : i1
      %and3A_52 = arith.andi %ne3A_51, %ne3A_47 : i1
      %add3A_53 = arith.addi %rem3A_45, %select_n3A_44 : i32
      %select_n3A_54 = arith.select %and3A_52, %add3A_53, %rem3A_45 : i32
      %mul3A_55 = arith.constant 16 : i32
      %mul3A_56 = arith.muli %select_n3A_54, %mul3A_55 : i32
      %swap3A = arith.index_cast %select_n3A : i32 to index
      %swap3A_57 = arith.index_cast %mul3A_56 : i32 to index
      %swap3A_58 = tpu.vector_load %arg8[%swap3A, %swap3A_57] {strides = array<i32>} : memref<128x128xf32, #tpu.memory_space<vmem>>, vector<1x16xf32>,
      %swap3A_59 = vector.shape_cast %swap3A_58 : vector<1x16xf32> to vector<16xf32>
      %swap3A_60 = vector.shape_cast %broadcast_in_dim3A_1 : vector<16xf32> to vector<1x16xf32>
      tpu.vector_store %arg8[%swap3A, %swap3A_57], %swap3A_60 {strides = array<i32>} : memref<128x128xf32, #tpu.memory_space<vmem>>, vector<1x16xf32>,
    }
    %scan3A_6 = arith.constant 1024 : i32
    %scan3A_7 = arith.constant 0 : i32
    %scan3A_8 = arith.constant 0 : i32
    %scan3A_9 = arith.constant 5 : i32
    %scan3A_10 = arith.addi %scan3A_8, %scan3A_9 : i32
    %scan3A_11 = arith.constant 1 : i32
    scf.for %scan3A_24 = %scan3A_8 to %scan3A_10 step %scan3A_11  : i32 {
      %mul3A_25 = arith.constant 640 : i32
      %mul3A_26 = arith.muli %arg1, %mul3A_25 : i32
      %mul3A_27 = arith.constant 128 : i32
      %mul3A_28 = arith.muli %scan3A_24, %mul3A_27 : i32
      %add3A_29 = arith.addi %mul3A_26, %mul3A_28 : i32
      "tpu.region"() ({
        %run_scoped3A = tpu.sem_alloc : memref<!tpu.dma_semaphore, #tpu.memory_space<semaphore_mem>>
        %dma_start3A = arith.constant 0 : i32
        %dma_start3A_30 = tpu.memref_slice %arg9[%add3A_29, %dma_start3A] : memref<10240x128xf32, #tpu.memory_space<vmem_shared>> -> memref<128x128xf32, #tpu.memory_space<vmem_shared>>
        %dma_start3A_31 = arith.constant 0 : i32
        %dma_start3A_32 = tpu.memref_slice %arg9[%add3A_29, %dma_start3A_31] : memref<10240x128xf32, #tpu.memory_space<vmem_shared>> -> memref<128x128xf32, #tpu.memory_space<vmem_shared>>
        tpu.enqueue_dma source(%arg8 : memref<128x128xf32, #tpu.memory_space<vmem>>) target(%dma_start3A_32 : memref<128x128xf32, #tpu.memory_space<vmem_shared>>) target_semaphore(%run_scoped3A : memref<!tpu.dma_semaphore, #tpu.memory_space<semaphore_mem>>)
        %dma_wait3A = arith.constant 0 : i32
        %dma_wait3A_33 = tpu.memref_slice %arg9[%add3A_29, %dma_wait3A] : memref<10240x128xf32, #tpu.memory_space<vmem_shared>> -> memref<128x128xf32, #tpu.memory_space<vmem_shared>>
        %dma_wait3A_34 = arith.constant 0 : i32
        %dma_wait3A_35 = tpu.memref_slice %arg9[%add3A_29, %dma_wait3A_34] : memref<10240x128xf32, #tpu.memory_space<vmem_shared>> -> memref<128x128xf32, #tpu.memory_space<vmem_shared>>
        tpu.wait_dma2 semaphore(%run_scoped3A : memref<!tpu.dma_semaphore, #tpu.memory_space<semaphore_mem>>) src(%arg8 : memref<128x128xf32, #tpu.memory_space<vmem>>) dst(%dma_wait3A_35 : memref<128x128xf32, #tpu.memory_space<vmem_shared>>)
        tpu.yield
      }) : () -> ()
    }
    %scan3A_12 = arith.constant 5 : i32
    %barrier3A = arith.constant 0 : index
    tpu.barrier barrier_id(%barrier3A)
    %scan3A_13 = arith.constant 0 : i32
    %scan3A_14 = arith.constant 0 : i32
    %scan3A_15 = arith.constant 79 : i32
    %scan3A_16 = arith.addi %scan3A_14, %scan3A_15 : i32
    %scan3A_17 = arith.constant 1 : i32
    scf.for %scan3A_24 = %scan3A_14 to %scan3A_16 step %scan3A_17  : i32 {
      %dma_start3A = arith.constant 0 : i32
      %dma_start3A_25 = tpu.memref_slice %arg6[%scan3A_24, %dma_start3A] : memref<79x128xi32, #tpu.memory_space<vmem>> -> memref<1x128xi32, #tpu.memory_space<vmem>>
      %dma_start3A_26 = tpu.memref_squeeze %dma_start3A_25 : memref<1x128xi32, #tpu.memory_space<vmem>> -> memref<128xi32, #tpu.memory_space<vmem>>
      %dma_start3A_27 = arith.constant 0 : i32
      %dma_start3A_28 = arith.constant 0 : i32
      %dma_start3A_29 = tpu.memref_slice %arg2[%dma_start3A_27, %dma_start3A_28] : memref<10000x128xf32, #tpu.memory_space<hbm>> -> memref<10000x128xf32, #tpu.memory_space<hbm>>
      tpu.enqueue_indirect_dma source(%dma_start3A_29 : memref<10000x128xf32, #tpu.memory_space<hbm>>) target(%arg8 : memref<128x128xf32, #tpu.memory_space<vmem>>) offsets(%dma_start3A_26 : memref<128xi32, #tpu.memory_space<vmem>>) semaphore(%arg10 : memref<!tpu.dma_semaphore, #tpu.memory_space<semaphore_mem>>)
      %dma_wait3A = arith.constant 0 : i32
      %dma_wait3A_30 = tpu.memref_slice %arg6[%scan3A_24, %dma_wait3A] : memref<79x128xi32, #tpu.memory_space<vmem>> -> memref<1x128xi32, #tpu.memory_space<vmem>>
      %dma_wait3A_31 = tpu.memref_squeeze %dma_wait3A_30 : memref<1x128xi32, #tpu.memory_space<vmem>> -> memref<128xi32, #tpu.memory_space<vmem>>
      %dma_wait3A_32 = arith.constant 0 : i32
      %dma_wait3A_33 = arith.constant 0 : i32
      %dma_wait3A_34 = tpu.memref_slice %arg2[%dma_wait3A_32, %dma_wait3A_33] : memref<10000x128xf32, #tpu.memory_space<hbm>> -> memref<10000x128xf32, #tpu.memory_space<hbm>>
      tpu.wait_indirect_dma semaphore(%arg10 : memref<!tpu.dma_semaphore, #tpu.memory_space<semaphore_mem>>) src(%dma_wait3A_34 : memref<10000x128xf32, #tpu.memory_space<hbm>>) dst(%arg8 : memref<128x128xf32, #tpu.memory_space<vmem>>)
      "tpu.region"() ({
        %run_scoped3A = tpu.sem_alloc : memref<!tpu.dma_semaphore, #tpu.memory_space<semaphore_mem>>
        %dma_start3A_35 = arith.constant 0 : i32
        %dma_start3A_36 = tpu.memref_slice %arg7[%scan3A_24, %dma_start3A_35] : memref<79x128xi32, #tpu.memory_space<vmem>> -> memref<1x128xi32, #tpu.memory_space<vmem>>
        %dma_start3A_37 = tpu.memref_squeeze %dma_start3A_36 : memref<1x128xi32, #tpu.memory_space<vmem>> -> memref<128xi32, #tpu.memory_space<vmem>>
        %dma_start3A_38 = arith.constant 0 : i32
        %dma_start3A_39 = arith.constant 0 : i32
        %dma_start3A_40 = tpu.memref_slice %arg9[%dma_start3A_38, %dma_start3A_39] : memref<10240x128xf32, #tpu.memory_space<vmem_shared>> -> memref<10240x128xf32, #tpu.memory_space<vmem_shared>>
        tpu.enqueue_indirect_dma source(%arg8 : memref<128x128xf32, #tpu.memory_space<vmem>>) target(%dma_start3A_40 : memref<10240x128xf32, #tpu.memory_space<vmem_shared>>) offsets(%dma_start3A_37 : memref<128xi32, #tpu.memory_space<vmem>>) semaphore(%run_scoped3A : memref<!tpu.dma_semaphore, #tpu.memory_space<semaphore_mem>>) {add = true}
        %dma_wait3A_41 = arith.constant 0 : i32
        %dma_wait3A_42 = tpu.memref_slice %arg7[%scan3A_24, %dma_wait3A_41] : memref<79x128xi32, #tpu.memory_space<vmem>> -> memref<1x128xi32, #tpu.memory_space<vmem>>
        %dma_wait3A_43 = tpu.memref_squeeze %dma_wait3A_42 : memref<1x128xi32, #tpu.memory_space<vmem>> -> memref<128xi32, #tpu.memory_space<vmem>>
        %dma_wait3A_44 = arith.constant 0 : i32
        %dma_wait3A_45 = arith.constant 0 : i32
        %dma_wait3A_46 = tpu.memref_slice %arg9[%dma_wait3A_44, %dma_wait3A_45] : memref<10240x128xf32, #tpu.memory_space<vmem_shared>> -> memref<10240x128xf32, #tpu.memory_space<vmem_shared>>
        tpu.wait_indirect_dma semaphore(%run_scoped3A : memref<!tpu.dma_semaphore, #tpu.memory_space<semaphore_mem>>) src(%arg8 : memref<128x128xf32, #tpu.memory_space<vmem>>) dst(%dma_wait3A_46 : memref<10240x128xf32, #tpu.memory_space<vmem_shared>>)
        tpu.yield
      }) : () -> ()
    }
    %scan3A_18 = arith.constant 79 : i32
    %barrier3A_19 = arith.constant 0 : index
    tpu.barrier barrier_id(%barrier3A_19)
    %mul3A_20 = arith.constant 640 : i32
    %mul3A_21 = arith.muli %arg1, %mul3A_20 : i32
    %mul3A_22 = arith.constant 640 : i32
    %mul3A_23 = arith.muli %arg1, %mul3A_22 : i32
    "tpu.region"() ({
      %run_scoped3A = tpu.sem_alloc : memref<!tpu.dma_semaphore, #tpu.memory_space<semaphore_mem>>
      %dma_start3A = arith.constant 0 : i32
      %dma_start3A_24 = tpu.memref_slice %arg5[%arg0, %mul3A_23, %dma_start3A] : memref<2x10240x128xf32, #tpu.memory_space<hbm>> -> memref<1x640x128xf32, #tpu.memory_space<hbm>>
      %dma_start3A_25 = tpu.memref_squeeze %dma_start3A_24 : memref<1x640x128xf32, #tpu.memory_space<hbm>> -> memref<640x128xf32, #tpu.memory_space<hbm>>
      %dma_start3A_26 = arith.constant 0 : i32
      %dma_start3A_27 = tpu.memref_slice %arg9[%mul3A_21, %dma_start3A_26] : memref<10240x128xf32, #tpu.memory_space<vmem_shared>> -> memref<640x128xf32, #tpu.memory_space<vmem_shared>>
      tpu.enqueue_dma source(%dma_start3A_27 : memref<640x128xf32, #tpu.memory_space<vmem_shared>>) target(%dma_start3A_25 : memref<640x128xf32, #tpu.memory_space<hbm>>) target_semaphore(%run_scoped3A : memref<!tpu.dma_semaphore, #tpu.memory_space<semaphore_mem>>)
      %dma_wait3A = arith.constant 0 : i32
      %dma_wait3A_28 = tpu.memref_slice %arg5[%arg0, %mul3A_23, %dma_wait3A] : memref<2x10240x128xf32, #tpu.memory_space<hbm>> -> memref<1x640x128xf32, #tpu.memory_space<hbm>>
      %dma_wait3A_29 = tpu.memref_squeeze %dma_wait3A_28 : memref<1x640x128xf32, #tpu.memory_space<hbm>> -> memref<640x128xf32, #tpu.memory_space<hbm>>
      %dma_wait3A_30 = arith.constant 0 : i32
      %dma_wait3A_31 = tpu.memref_slice %arg9[%mul3A_21, %dma_wait3A_30] : memref<10240x128xf32, #tpu.memory_space<vmem_shared>> -> memref<640x128xf32, #tpu.memory_space<vmem_shared>>
      tpu.wait_dma2 semaphore(%run_scoped3A : memref<!tpu.dma_semaphore, #tpu.memory_space<semaphore_mem>>) src(%dma_wait3A_31 : memref<640x128xf32, #tpu.memory_space<vmem_shared>>) dst(%dma_wait3A_29 : memref<640x128xf32, #tpu.memory_space<hbm>>)
      tpu.yield
    }) : () -> ()
    return
  }
}

</mosaic_0001>

<sc_bundles>
// kernel: _sc_aggregate.3.cloned.1.call-start
scs
__scs_entry_jumppad:
0x0: {  	(pc) =	sbr.rel $0x88, $3  }
0x1: {  	(tag) =	ssettag $0x0;
	lr =	simm.s32 $0x1  }
0x2: {  	[smem:$0x3F9E] =	sst lr;
	_ =	strace $0xD0000000  }
0x3: {  	_ = 	snop  }
0x4: {  	_ = 	snop  }
0x5: {  	_ = 	snop  }
0x6: {  	_ = 	snop  }
0x7: {  	_ = 	snop  }
__scs_overlays_trampoline_lowered:
0x8: {  	[smem:$0x3FAD] =	sst s0  }
0x9: {  	[smem:$0x3FAE] =	sst s1  }
0xa: {  	[smem:$0x3FAF] =	sst s2  }
0xb: {  	[smem:$0x3FB0] =	sst s3  }
0xc: {  	[smem:$0x3FB1] =	sst s4  }
0xd: {  	[smem:$0x3FB2] =	sst s5  }
0xe: {  	[smem:$0x3FB3] =	sst s6  }
0xf: {  	[smem:$0x3FB4] =	sst s7  }
0x10: {  	[smem:$0x3FB5] =	sst s8  }
0x11: {  	[smem:$0x3FB6] =	sst s9;
	s0 =	simm.s32 @!p0 $0x0  }
0x12: {  	s1 =	sld [smem:$0x3F9C];
	s0 =	simm.s32 @p0 $0x1  }
0x13: {  	[smem:$0x3FB7] =	sst s0;
	s0 =	simm.s32 @!p1 $0x0  }
0x14: {  	s2 =	sld [smem:$0x3F9B];
	s0 =	simm.s32 @p1 $0x1  }
0x15: {  	[smem:$0x3FB8] =	sst s0;
	s0 =	simm.s32 @!p2 $0x0  }
0x16: {  	s3 =	sld [smem:$0x3FDB];
	s0 =	simm.s32 @p2 $0x1  }
0x17: {  	s4 =	simm.s32 $0x1BF5;
	[smem:$0x3FBA] =	sst s0  }
0x18: {  	s0 =	sld [smem:$0x3F9D];
	_ =	swait.ge [sflag:s4], $0x0  }
0x19: {  	s7 =	sld [smem:$0x3F9E]  }
0x1a: {  	s8 =	sadd.s32 $0xFFFFE003, lr  }
0x1b: {  	s9 =	sadd.s32 $0xFFFFFEF7, lr;
	s5 =	simm.s32 $0xFFFFFFFF;
	p2 =	slt.u32 s8, $0xFFFFF086  }
0x1c: {  	p1 =	slt.u32 s9, $0xF7A;
	s5 =	simm.s32 @!p2 $0x0  }
0x1d: {  	s5 =	simm.s32 @p1 $0x1;
	p0 =	seq.s32 s7, s2  }
0x1e: {  	s7 =	smul.u32 @!p0 $0xF7A, s2;
	p2 =	seq.s32 @!p0 s5, $0x0  }
0x1f: {  	s9 =	smul.u32 $0xF7A, s1;
	s8 =	simm.s32 @!p0 $0x1BF5;
	p2 =	por !p2, p0  }
0x20: {  	[sflag:s8] =	ssyncset.s32 @!p0 $0xFFFFF086;
	s6 =	sadd.s32 @!p0 s3, s7;
	s7 =	simm.s32 @!p0 $0x108  }
0x21: {  	s3 =	sadd.s32 s3, s9;
	s6 =	sadd.s32 @!p0 $0x88, s6;
	s7 =	simm.s32 @p2 $0x1082  }
0x22: {  	[simem:s7], [sflag:s8] =	dma.local @!p0 [hbm:s6], $0xF7A  }
0x23: {  	s9 =	sor.u32 $0xD0000000, s2;
	s6 =	simm.s32 $0x108;
	_ =	swait.ge @!p0 [sflag:s8], $0x0  }
0x24: {  	s3 =	sadd.s32 $0x88, s3;
	s6 =	simm.s32 @!p1 $0x1082;
	[sflag:s4] =	ssyncset.s32 $0xFFFFF086  }
0x25: {  	[simem:s6], [sflag:s4] =	dma.local [hbm:s3], $0xF7A  }
0x26: {  	[smem:$0x3F9E] =	sst s1;
	(tag) =	ssettag s2;
	_ =	strace s9  }
0x27: {  	s1 =	sld [smem:$0x3FAE]  }
0x28: {  	s2 =	sld [smem:$0x3FAF]  }
0x29: {  	s4 =	sld [smem:$0x3FB1]  }
0x2a: {  	p0 =	seq.s32 s5, $0x0;
	s5 =	sld [smem:$0x3FB2]  }
0x2b: {  	s6 =	sld [smem:$0x3FB3]  }
0x2c: {  	s7 =	sld [smem:$0x3FB4]  }
0x2d: {  	s3 =	simm.s32 $0x108;
	s8 =	sld [smem:$0x3FB5]  }
0x2e: {  	s3 =	simm.s32 @!p0 $0x1082;
	s9 =	sld [smem:$0x3FB6]  }
0x2f: {  	lr =	sadd.s32 s0, s3;
	s0 =	sld [smem:$0x3FAD]  }
0x30: {  	s3 =	sld [smem:$0x3FB0]  }
0x31: {  	[smem:$0x3FB9] =	sst s10  }
0x32: {  	s10 =	sld [smem:$0x3FB7];
	_ =	sdelay $0x3  }
0x33: {  	p0 =	seq.s32 s10, $0x1;
	s10 =	sld [smem:$0x3FB9];
	_ =	sdelay $0x3  }
0x34: {  	[smem:$0x3FB9] =	sst s10  }
0x35: {  	s10 =	sld [smem:$0x3FB8];
	_ =	sdelay $0x3  }
0x36: {  	p1 =	seq.s32 s10, $0x1;
	s10 =	sld [smem:$0x3FB9];
	_ =	sdelay $0x3  }
0x37: {  	[smem:$0x3FB9] =	sst s10  }
0x38: {  	s10 =	sld [smem:$0x3FBA]  }
0x39: {  	_ = 	snop;
	(pc) =	sbr.ind lr, $3  }
0x3a: {  	_ = 	snop  }
0x3b: {  	_ = 	snop  }
0x3c: {  	p2 =	seq.s32 s10, $0x1;
	s10 =	sld [smem:$0x3FB9]  }
0x3d: {  	_ =	shalt  }
0x3e: {  	_ =	shalt  }
0x3f: {  	_ =	shalt  }
0x40: {  	_ =	shalt  }
0x41: {  	_ =	shalt  }
0x42: {  	_ =	shalt  }
0x43: {  	_ =	shalt  }
0x44: {  	_ =	shalt  }
0x45: {  	_ =	shalt  }
0x46: {  	_ =	shalt  }
0x47: {  	_ =	shalt  }
0x48: {  	_ =	shalt  }
0x49: {  	_ =	shalt  }
0x4a: {  	_ =	shalt  }
0x4b: {  	_ =	shalt  }
0x4c: {  	_ =	shalt  }
0x4d: {  	_ =	shalt  }
0x4e: {  	_ =	shalt  }
0x4f: {  	_ =	shalt  }
0x50: {  	_ =	shalt  }
0x51: {  	_ =	shalt  }
0x52: {  	_ =	shalt  }
0x53: {  	_ =	shalt  }
0x54: {  	_ =	shalt  }
0x55: {  	_ =	shalt  }
0x56: {  	_ =	shalt  }
0x57: {  	_ =	shalt  }
0x58: {  	_ =	shalt  }
0x59: {  	_ =	shalt  }
0x5a: {  	_ =	shalt  }
0x5b: {  	_ =	shalt  }
0x5c: {  	_ =	shalt  }
0x5d: {  	_ =	shalt  }
0x5e: {  	_ =	shalt  }
0x5f: {  	_ =	shalt  }
0x60: {  	_ =	shalt  }
0x61: {  	_ =	shalt  }
0x62: {  	_ =	shalt  }
0x63: {  	_ =	shalt  }
0x64: {  	_ =	shalt  }
0x65: {  	_ =	shalt  }
0x66: {  	_ =	shalt  }
0x67: {  	_ =	shalt  }
0x68: {  	_ =	shalt  }
0x69: {  	_ =	shalt  }
0x6a: {  	_ =	shalt  }
0x6b: {  	_ =	shalt  }
0x6c: {  	_ =	shalt  }
0x6d: {  	_ =	shalt  }
0x6e: {  	_ =	shalt  }
0x6f: {  	_ =	shalt  }
0x70: {  	_ =	shalt  }
0x71: {  	_ =	shalt  }
0x72: {  	_ =	shalt  }
0x73: {  	_ =	shalt  }
0x74: {  	_ =	shalt  }
0x75: {  	_ =	shalt  }
0x76: {  	_ =	shalt  }
0x77: {  	_ =	shalt  }
0x78: {  	_ =	shalt  }
0x79: {  	_ =	shalt  }
0x7a: {  	_ =	shalt  }
0x7b: {  	_ =	shalt  }
0x7c: {  	_ =	shalt  }
0x7d: {  	_ =	shalt  }
0x7e: {  	_ =	shalt  }
0x7f: {  	_ =	shalt  }
0x80: {  	_ =	shalt  }
0x81: {  	_ =	shalt  }
0x82: {  	_ =	shalt  }
0x83: {  	_ =	shalt  }
0x84: {  	_ =	shalt  }
0x85: {  	_ =	shalt  }
0x86: {  	_ =	shalt  }
0x87: {  	_ =	shalt  }
.Lfunc_end0:
.L_simem_size_0:
called_computation_lowered:
.L_overlay_start_0:
0x88: {  	s2 =	sld [smem:$0x3FD9]  }
0x89: {  	s3 =	sld [smem:$0x3FFE];
	_ =	sdelay $0x1  }
0x8a: {  	s1 =	srdreg.scid  }
0x8b: {  	s0 =	sand.u32 $0x1, s1  }
0x8c: {  	s17 =	sshll.u32 s0, $0xA;
	s2 =	sadd.s32 s3, s2  }
0x8d: {  	s2 =	sadd.s32 s2, s17  }
0x8e: {  	[smem:$0x3FC5] =	sst s2  }
0x8f: {  	_ = 	snop  }
0x90: {  	s2 =	sld [smem:$0x3FC9]  }
0x91: {  	s18 =	sld [smem:$0x3FD0];
	(tm) =	ssettm $0x1  }
0x92: {  	s4 =	sld [smem:$0x3FFB];
	_ =	sdelay $0x3  }
0x93: {  	_ =	strace s4  }
0x94: {  	s4 =	sld [smem:$0x3FFC];
	_ =	sdelay $0x3  }
0x95: {  	_ =	strace s4  }
0x96: {  	s4 =	sld [smem:$0x3FFD];
	_ =	sdelay $0x3  }
0x97: {  	_ =	strace s4  }
0x98: {  	_ =	strace $0x8FFFFFFF  }
0x99: {  	s19 =	sld [smem:$0x3FDB];
	_ =	sdelay $0x1  }
0x9a: {  	s5 =	simm.s32 $_scs_section_size  }
0x9b: {  	s6 =	simm.s32 $_size__tile_overlayer_lowered;
	s7 =	simm.s32 $_tile_overlayer_lowered  }
0x9c: {  	s22 =	simm.s32 $0x1BFF;
	s21 =	sshll.u32 s7, $0x1;
	s4 =	sadd.s32 s5, s19  }
0x9d: {  	s8 =	simm.s32 $0x0;
	s20 =	sshll.u32 s6, $0x1;
	s6 =	sadd.s32 s21, s4  }
0x9e: {  	[timem:s8], [sflag:s22] =	dma.local [hbm:s6], s20  }
0x9f: {  	_ =	swait.ge [sflag:s22], s20  }
0xa0: {  	s5 =	ssub.s32 $0x0, s20;
	[sflag:s22] =	ssyncset.done $0x0  }
0xa1: {  	[sflag:s22] =	ssyncadd.s32 s5;
	_ =	sdelay $0x1  }
0xa2: {  	s23 =	simm.s32 $0x1B8B  }
0xa3: {  	_ =	swait.ge [sflag:s23], $0x1  }
0xa4: {  	[sflag:s23] =	ssyncset.done $0x0  }
0xa5: {  	s25 =	simm.s32 $0x1B8E;
	s24 =	sld [smem:$0x3FFE];
	[sflag:s23] =	ssyncadd.s32 $0xFFFFFFFF  }
0xa6: {  	s26 =	simm.s32 $execute0_lowered;
	[smem:$0x3FD2] =	sst s25  }
0xa7: {  	s6 =	sshll.u32 s26, $0x1;
	_ =	strace $0x80000046;
	[dreg:$0x1] =	wrdreg $0xFFFFFFFF  }
0xa8: {  	s28 =	simm.s32 $_size_execute0_lowered;
	s4 =	sadd.s32 s4, s6;
	[dreg:$0x0] =	wrdreg $0x0  }
0xa9: {  	s6 =	sshll.u32 s28, $0x1;
	[dreg:$0x2] =	wrdreg s4  }
0xaa: {  	[dreg:$0x3] =	wrdreg s6  }
0xab: {  	[dreg:$0x4] =	wrdreg $0xC0  }
0xac: {  	_ =	task [dreg:s8], $0x5FFFF  }
0xad: {  	[dreg:$0x1] =	wrdreg $0xFFFFFFFF  }
0xae: {  	[dreg:$0x0] =	wrdreg $0x60  }
0xaf: {  	[dreg:$0x2] =	wrdreg s2  }
0xb0: {  	[dreg:$0x3] =	wrdreg s24  }
0xb1: {  	[dreg:$0x4] =	wrdreg s18  }
0xb2: {  	[dreg:$0x5] =	wrdreg $0x90000  }
0xb3: {  	[dreg:$0x6] =	wrdreg $0x9  }
0xb4: {  	_ =	task.clear_ibuf [dreg:s8], $0x7FFFF;
	_ =	strace $0x90000046  }
0xb5: {  	s29 =	simm.s32 $0x9;
	_ =	strace $0x80000048  }
0xb6: {  	_ =	swait.ge [sflag:s29], $0x1  }
0xb7: {  	[sflag:s29] =	ssyncadd.s32 $0xFFFFFFFF  }
0xb8: {  	_ =	strace $0x90000048  }
0xb9: {  	_ =	sfence  }
0xba: {  	s30 =	sld [smem:$0x0];
	_ =	sdelay $0x2  }
0xbb: {  	s31 =	sshll.u32 s1, $0xD;
	s1 =	sshrl.u32 s1, $0x2  }
0xbc: {  	s3 =	sand.u32 $0x4000, s31;
	s1 =	sadd.s32 s1, s30  }
0xbd: {  	s0 =	sor.u32 s3, s0;
	s1 =	sshll.u32 s1, $0x11  }
0xbe: {  	s0 =	sor.u32 s1, s0  }
0xbf: {  	s0 =	sadd.s32 $0x8F2B, s0  }
0xc0: {  	[sflag:s0] =	ssyncadd.remote.s32 $0x1  }
0xc1: {  	_ =	sfence.sel $0xFFFF  }
0xc2: {  	[dreg:$0x0] =	wrdreg $0xFFFFFFFF;
	(pc) =	sbr.abs _section_cstart, $3  }
0xc3: {  	[dreg:$0x1] =	wrdreg $0xFFFFFFFF  }
0xc4: {  	_ =	task.clear_ibuf [dreg:s8], $0x2FFFF;
	_ =	strace $0x9FFFFFFF  }
0xc5: {  	(tm) =	ssettm $0x7FFFFFFF  }
tec
execute0_lowered:
.L_overlay_start_1:
0x0: {  	(tag) =	ssettag $0x1  }
0x1: {  	s1 =	rddreg [dreg:$0x0]  }
0x2: {  	s5 =	rddreg [dreg:$0x1]  }
0x3: {  	s2 =	srdreg.scid;
	s8 =	rddreg [dreg:$0x2]  }
0x4: {  	s0 =	stileid.u32;
	s3 =	rddreg [dreg:$0x3]  }
0x5: {  	s4 =	simm.s32 $0x0;
	s14 =	simm.s32 $0x2;
	s15 =	simm.s32 $0x2800  }
0x6: {  	s16 =	simm.s32 $0x5000;
	s17 =	simm.s32 $0x80;
	s18 =	simm.s32 $0x1  }
0x7: {  	s21 =	simm.s32 $0x0;
	s6 =	sand.u32 $0x1, s2;
	s9 =	smul.u32 $0x50000, s0  }
0x8: {  	s29 =	sshll.u32 s0, $0x1;
	s12 =	smul.u32 $0x14000, s0;
	s19 =	sshll.u32 s0, $0x6  }
0x9: {  	s2 =	sor.u32 s6, s29;
	s10 =	ssub.s32 $0x2, s6;
	s6 =	smul.u32 $0x140000, s6  }
0xa: {  	[smem:$0x7FF] =	sst s4;
	s19 =	sor.u32 $0x1C02, s19;
	s7 =	smul.u32 $0x500, s2  }
0xb: {  	s2 =	rddreg [dreg:$0x4];
	s11 =	sshrl.u32 s10, $0x1;
	_ =	strace $0x80000047  }
0xc: {  	s9 =	sshrl.u32 s9, $0x2;
	s30 =	sadd.s32 s12, s6;
	s7 =	sadd.s32 s7, s5  }
0xd: {  	s10 =	ssub.s32 s10, s11;
	s31 =	sshrl.u32 s30, $0x3;
	s5 =	sadd.s32 $0x600, s7  }
0xe: {  	s6 =	sadd.s32 $0xA600, s7;
	s7 =	sadd.s32 s9, s3;
	s8 =	sadd.s32 s8, s31  }
0xf: {  	s9 =	smax.u32 s10, $0x1;
	s10 =	sadd.s32 $0x4000, s7;
	s11 =	sadd.s32 $0x8000, s7  }
0x10: {  	v0 =	vimm.f32 $0.0e+00;
	s12 =	sadd.s32 $0xC000, s7;
	s13 =	sadd.s32 $0x10000, s7;
	s20 =	sshrl.u32 s7, $0x3  }
.LBB2_1:
0x11: {  	[tilespmem:s4], [sflag:$0x2] =	stream.linear.gather [hbm4b:s5+s4], $0x2780, $0x38;
	[tilespmem:$0x1D000] =	vst v63  }
0x12: {  	_ =	swait.ge [sflag:s14], $0x2780  }
0x13: {  	[sflag:s14] =	ssyncset.done $0x0  }
0x14: {  	[sflag:s14] =	ssyncadd.s32 $0xFFFFD880  }
0x15: {  	[tilespmem:s15], [sflag:$0x2] =	stream.linear.gather [hbm4b:s6+s4], $0x2780, $0x38;
	[tilespmem:$0x1D000] =	vst v63  }
0x16: {  	s22 =	sand.u32 $0xFE00, s4;
	s23 =	sand.u32 $0x70, s4;
	_ =	swait.ge [sflag:s14], $0x2780  }
0x17: {  	s24 =	sshrl.u32 s22, $0x2;
	s22 =	simm.s32 $0x40;
	[sflag:s14] =	ssyncset.done $0x0  }
0x18: {  	s24 =	sor.u32 s23, s24;
	s23 =	simm.s32 $0x0;
	[sflag:s14] =	ssyncadd.s32 $0xFFFFD880  }
.LBB2_2:
0x19: {  	p0 =	sne.s32 s22, $0xFFC0  }
0x1a: {  	[tilespmem:s24+$0x5000] =	vst v0;
	s23 =	sadd.s32 $0x10, s23;
	s24 =	smov.u32 s22;
	s22 =	sadd.s32 $0x40, s22  }
.Ltmp0:
0x1b: {  	(pc) =	sbr.rel @p0 .LBB2_2-.Ltmp0, $4  }
0x1c: {  	_ = 	snop  }
0x1d: {  	s24 =	sand.u32 $0xFE00, s24  }
0x1e: {  	s25 =	sand.u32 $0x70, s23;
	s24 =	sshrl.u32 s24, $0x2  }
0x1f: {  	s24 =	sor.u32 s25, s24  }
0x20: {  	[tilespmem:s24+$0x5000] =	vst v0  }
0x21: {  	[spmem:s7] =	stream.linear.scatter [tilespmem:s16], [sflag:$0x2], $0x4000, $0x38;
	[tilespmem:$0x1D000] =	vst v63  }
0x22: {  	_ =	swait.ge [sflag:s14], $0x4000  }
0x23: {  	[sflag:s14] =	ssyncset.done $0x0  }
0x24: {  	[sflag:s14] =	ssyncadd.s32 $0xFFFFC000  }
0x25: {  	[spmem:s10] =	stream.linear.scatter [tilespmem:s16], [sflag:$0x2], $0x4000, $0x38;
	[tilespmem:$0x1D000] =	vst v63  }
0x26: {  	_ =	swait.ge [sflag:s14], $0x4000  }
0x27: {  	[sflag:s14] =	ssyncset.done $0x0  }
0x28: {  	[sflag:s14] =	ssyncadd.s32 $0xFFFFC000  }
0x29: {  	[spmem:s11] =	stream.linear.scatter [tilespmem:s16], [sflag:$0x2], $0x4000, $0x38;
	[tilespmem:$0x1D000] =	vst v63  }
0x2a: {  	_ =	swait.ge [sflag:s14], $0x4000  }
0x2b: {  	[sflag:s14] =	ssyncset.done $0x0  }
0x2c: {  	[sflag:s14] =	ssyncadd.s32 $0xFFFFC000  }
0x2d: {  	[spmem:s12] =	stream.linear.scatter [tilespmem:s16], [sflag:$0x2], $0x4000, $0x38;
	[tilespmem:$0x1D000] =	vst v63  }
0x2e: {  	_ =	swait.ge [sflag:s14], $0x4000  }
0x2f: {  	[sflag:s14] =	ssyncset.done $0x0  }
0x30: {  	[sflag:s14] =	ssyncadd.s32 $0xFFFFC000  }
0x31: {  	[spmem:s13] =	stream.linear.scatter [tilespmem:s16], [sflag:$0x2], $0x4000, $0x38;
	[tilespmem:$0x1D000] =	vst v63  }
0x32: {  	_ =	swait.ge [sflag:s14], $0x4000  }
0x33: {  	[sflag:s14] =	ssyncset.done $0x0  }
0x34: {  	[sflag:s14] =	ssyncadd.s32 $0xFFFFC000  }
0x35: {  	s22 =	simm.s32 $0x0;
	[bflag:$0x0] =	sbarrier.arrive $0xFFFF  }
0x36: {  	[tilespmem:s16], [sflag:$0x1] =	stream.indirect.gather [hbm4b:s1+s17], $0x80, s22, s17, $0xb8;
	[tilespmem:$0x1D000] =	vst v63  }
0x37: {  	_ =	swait.ge [sflag:s18], $0x4000  }
0x38: {  	[sflag:s18] =	ssyncset.done $0x0  }
0x39: {  	s31 =	simm.s32 $0x2800;
	[sflag:s18] =	ssyncadd.s32 $0xFFFFC000  }
0x3a: {  	[spmem:s3] =	stream.indirect.scatter.add.f32 [tilespmem:s16], [sflag:$0x2], $0x80, s31, s17, $0xb8;
	[tilespmem:$0x1D000] =	vst v63  }
0x3b: {  	_ =	swait.ge [sflag:s14], $0x4000  }
0x3c: {  	s23 =	simm.s32 $0x400;
	s22 =	simm.s32 $0x200;
	[sflag:s14] =	ssyncset.done $0x0  }
.LBB2_4:
0x3d: {  	s24 =	sshra.s32 s22, $0x2  }
0x3e: {  	[sflag:s14] =	ssyncadd.s32 $0xFFFFC000;
	s22 =	smov.u32 s23;
	s25 =	sadd.s32 $0x200, s23  }
0x3f: {  	[tilespmem:s16], [sflag:$0x1] =	stream.indirect.gather [hbm4b:s1+s17], $0x80, s24, s17, $0xb8;
	[tilespmem:$0x1D000] =	vst v63  }
0x40: {  	p0 =	sne.s32 s23, $0x9C00;
	_ =	swait.ge [sflag:s18], $0x4000  }
.Ltmp1:
0x41: {  	[sflag:s18] =	ssyncset.done $0x0;
	(pc) =	sbr.rel @p0 .LBB2_4-.Ltmp1, $4  }
0x42: {  	s23 =	sadd.s32 $0x2800, s24;
	[sflag:s18] =	ssyncadd.s32 $0xFFFFC000  }
0x43: {  	[spmem:s3] =	stream.indirect.scatter.add.f32 [tilespmem:s16], [sflag:$0x2], $0x80, s23, s17, $0xb8;
	[tilespmem:$0x1D000] =	vst v63  }
0x44: {  	_ =	swait.ge [sflag:s14], $0x4000  }
0x45: {  	s23 =	smov.u32 s25;
	[sflag:s14] =	ssyncset.done $0x0  }
0x46: {  	s22 =	sshra.s32 s22, $0x2;
	[sflag:s14] =	ssyncadd.s32 $0xFFFFC000  }
0x47: {  	[tilespmem:s16], [sflag:$0x1] =	stream.indirect.gather [hbm4b:s1+s17], $0x80, s22, s17, $0xb8;
	[tilespmem:$0x1D000] =	vst v63  }
0x48: {  	_ =	swait.ge [sflag:s18], $0x4000  }
0x49: {  	[sflag:s18] =	ssyncset.done $0x0  }
0x4a: {  	s22 =	sadd.s32 $0x2800, s22;
	[sflag:s18] =	ssyncadd.s32 $0xFFFFC000  }
0x4b: {  	[spmem:s3] =	stream.indirect.scatter.add.f32 [tilespmem:s16], [sflag:$0x2], $0x80, s22, s17, $0xb8;
	[tilespmem:$0x1D000] =	vst v63  }
0x4c: {  	_ =	swait.ge [sflag:s14], $0x4000  }
0x4d: {  	s21 =	sadd.s32 $0x1, s21;
	[sflag:s14] =	ssyncset.done $0x0  }
0x4e: {  	p0 =	sne.s32 s21, s9;
	[sflag:s14] =	ssyncadd.s32 $0xFFFFC000  }
.Ltmp2:
0x4f: {  	[bflag:$0x0] =	sbarrier.arrive $0xFFFF;
	(pc) =	sbr.rel @p0 .LBB2_1-.Ltmp2, $4  }
0x50: {  	[hbm:s8], [sflag:s19] =	dma.local [spmem:s20], $0x2800  }
0x51: {  	_ =	swait.ge [sflag:s14], $0x2800  }
0x52: {  	[sflag:s14] =	ssyncset.done $0x0  }
0x53: {  	[sflag:s14] =	ssyncadd.s32 $0xFFFFD800  }
0x54: {  	_ =	sfence.sel $0x180000  }
0x55: {  	[bflag:$0x0] =	sbarrier.arrive $0xFFFF  }
0x56: {  	p0 =	sne.s32 s0, $0x0;
	_ =	strace $0x90000047  }
0x57: {  	s0 =	sadd.s32 @!p0 $0x100000, s2;
	[bflag:$0x2] =	sbarrier.arrive $0xFFFF  }
0x58: {  	[sflag:s0] =	ssyncadd.tile.s32 @!p0 $0x1;
	_ =	shalt  }
.Lfunc_end2:
_tile_overlayer_lowered:
.L_overlay_start_2:
0x59: {  	(tag) =	ssettag $0x2  }
0x5a: {  	s0 =	rddreg [dreg:$0x0];
	s2 =	stileid.u32  }
0x5b: {  	s1 =	rddreg [dreg:$0x1];
	p0 =	sne.s32 s2, $0x0  }
0x5c: {  	s3 =	rddreg [dreg:$0x2];
	[bflag:$0x3] =	sbarrier.arrive $0xFFFF;
	s2 =	simm.s32 @!p0 $0x1C02  }
0x5d: {  	[timem:s3], [sflag:s2] =	dma.local @!p0 [hbm:s0], s1  }
0x5e: {  	s0 =	simm.s32 @!p0 $0x2  }
0x5f: {  	_ =	swait.ge @!p0 [sflag:s0], s1  }
0x60: {  	s1 =	ssub.s32 @!p0 $0x0, s1;
	[sflag:s0] =	ssyncset.done @!p0 $0x0  }
0x61: {  	[sflag:s0] =	ssyncadd.s32 @!p0 s1  }
0x62: {  	[bflag:$0x3] =	sbarrier.arrive $0xFFFF  }
0x63: {  	_ =	shalt  }

</sc_bundles>
